<compile_context>
chip_gen: v7x
topology: tpu7x:2x2x1
jax: 0.10.2.dev20260603
libtpu: 0.0.44.dev20260713+nightly
codegen_flags: <defaults>
</compile_context>

<pallas_src>
import functools

import jax
import jax.numpy as jnp
from jax import lax
from jax.experimental import pallas as pl
from jax.experimental.pallas import tpu as pltpu
from jax.experimental.pallas import tpu_sc as plsc

HIDDEN = 768
LANES = 16
VPR = HIDDEN // LANES
NW = 32
C = 24
N_GRAPH = 256
N_NODE = 128
ROWS = N_GRAPH * (N_NODE + 1)
CH_TOTAL = ROWS // C
CH_PER_W = CH_TOTAL // NW
N_SLOT = 11


def _sc_body(idx_hbm, table_hbm, out_hbm, idx_v, acc_v, gbuf_v, sem_g):
    w = lax.axis_index("s") * 2 + lax.axis_index("c")
    ch0 = w * CH_PER_W

    def chunk_body(c, _):
        ch = ch0 + c
        pltpu.sync_copy(idx_hbm.at[ch], idx_v.at[0])
        pltpu.async_copy(table_hbm.at[idx_v.at[0, 0]], acc_v.at[0], sem_g).wait()

        def slot_body(j, _):
            pltpu.async_copy(table_hbm.at[idx_v.at[0, j]], gbuf_v.at[0], sem_g).wait()

            def pos_body(q, _):
                i = q // VPR
                k = q % VPR
                v = gbuf_v[0, i, pl.ds(k * LANES, LANES)]
                plsc.addupdate(acc_v.at[0, i, pl.ds(k * LANES, LANES)], v)
                return _

            lax.fori_loop(0, C * VPR, pos_body, None)
            return _

        lax.fori_loop(1, N_SLOT, slot_body, None)
        pltpu.sync_copy(acc_v.at[0], out_hbm.at[pl.ds(ch * C, C)])
        return _

    lax.fori_loop(0, CH_PER_W, chunk_body, None)


def kernel(x, in_degree, out_degree, atom_table, in_table, out_table, graph_token):
    x = x.astype(jnp.int32)
    in_degree = in_degree.astype(jnp.int32)
    out_degree = out_degree.astype(jnp.int32)
    na = atom_table.shape[0]
    ni = in_table.shape[0]
    token_row = na + ni + out_table.shape[0]

    table = jnp.concatenate([atom_table, in_table, out_table, graph_token], axis=0)

    node_idx = jnp.concatenate(
        [x, (in_degree + na)[..., None], (out_degree + na + ni)[..., None]],
        axis=-1)
    token_idx = jnp.zeros((N_GRAPH, 1, N_SLOT), jnp.int32).at[:, :, 0].set(token_row)
    all_idx = jnp.concatenate([token_idx, node_idx], axis=1).reshape(ROWS, N_SLOT)
    idx = all_idx.reshape(CH_TOTAL, C, N_SLOT).transpose(0, 2, 1)

    mesh = plsc.VectorSubcoreMesh(core_axis_name="c", subcore_axis_name="s")
    out = pl.kernel(
        _sc_body,
        out_type=jax.ShapeDtypeStruct((ROWS, HIDDEN), jnp.float32),
        mesh=mesh,
        scratch_types=[
            pltpu.VMEM((1, N_SLOT, C), jnp.int32),
            pltpu.VMEM((1, C, HIDDEN), jnp.float32),
            pltpu.VMEM((1, C, HIDDEN), jnp.float32),
            pltpu.SemaphoreType.DMA,
        ],
    )(idx, table)
    return out.reshape(N_GRAPH, N_NODE + 1, HIDDEN)

# --- scband reference (transcript-rebuilt; emitter-appended) ---
"""Pipeline reference for scband-graph-node-feature-31069793419867 (READ-ONLY COPY).

The authoritative reference and input builder live on the scoring server;
editing this copy changes nothing except your own understanding.
"""

import jax, jax.numpy as jnp
import numpy as np

NUM_ATOMS = 4608
NUM_IN_DEG = 512
NUM_OUT_DEG = 512
HIDDEN = 768


def setup_inputs(seed: int = 0) -> dict:
    key = jax.random.key(seed)
    k1, k2, k3, k4, k5, k6, k7 = jax.random.split(key, 7)
    x = jax.random.randint(k1, (256, 128, 9), 0, NUM_ATOMS + 1, dtype=jnp.int64 if jax.config.jax_enable_x64 else jnp.int32)
    in_degree = jax.random.randint(k2, (256, 128), 0, NUM_IN_DEG, dtype=x.dtype)
    out_degree = jax.random.randint(k3, (256, 128), 0, NUM_OUT_DEG, dtype=x.dtype)
    atom_table = (0.02 * jax.random.normal(k4, (NUM_ATOMS + 1, HIDDEN), dtype=jnp.float32)).at[0].set(0.0)
    in_table = (0.02 * jax.random.normal(k5, (NUM_IN_DEG, HIDDEN), dtype=jnp.float32)).at[0].set(0.0)
    out_table = (0.02 * jax.random.normal(k6, (NUM_OUT_DEG, HIDDEN), dtype=jnp.float32)).at[0].set(0.0)
    graph_token = 0.02 * jax.random.normal(k7, (1, HIDDEN), dtype=jnp.float32)
    return {
        "x": x,
        "in_degree": in_degree,
        "out_degree": out_degree,
        "atom_table": atom_table,
        "in_table": in_table,
        "out_table": out_table,
        "graph_token": graph_token,
    }


def reference(x, in_degree, out_degree, atom_table, in_table, out_table, graph_token):
    # atom_encoder(x).sum(dim=-2): gather [B, N, F, H] then sum over feature axis
    node_feature = jnp.take(atom_table, x, axis=0).sum(axis=-2)
    node_feature = node_feature \
        + jnp.take(in_table, in_degree, axis=0) \
        + jnp.take(out_table, out_degree, axis=0)
    n_graph = x.shape[0]
    graph_token_feature = jnp.broadcast_to(graph_token[None, :, :], (n_graph, 1, graph_token.shape[-1]))
    graph_node_feature = jnp.concatenate([graph_token_feature, node_feature], axis=1)
    return graph_node_feature

if __name__ == "__main__":
    import jax
    _d = setup_inputs()
    print(jax.jit(kernel)(*tuple(_d.values())))

</pallas_src>

<mosaic_0001>
#map = affine_map<(d0, d1) -> (0, 0, 0)>
#map1 = affine_map<(d0, d1) -> (0, 0)>
module attributes {stable_mosaic.version = 14 : i64} {
  func.func @_sc_body(%arg0: i32, %arg1: i32, %arg2: memref<1376x11x24xi32, #tpu.memory_space<hbm>>, %arg3: memref<5634x768xf32, #tpu.memory_space<hbm>>, %arg4: memref<33024x768xf32, #tpu.memory_space<hbm>>, %arg5: memref<1x11x24xi32, #tpu.memory_space<vmem>>, %arg6: memref<1x24x768xf32, #tpu.memory_space<vmem>>, %arg7: memref<1x24x768xf32, #tpu.memory_space<vmem>>, %arg8: memref<!tpu.dma_semaphore, #tpu.memory_space<semaphore_mem>>) attributes {dimension_semantics = [#tpu.dimension_semantics<core_parallel>, #tpu.dimension_semantics<subcore_parallel>], iteration_bounds = array<i64: 2, 16>, scalar_prefetch = 0 : i64, scratch_operands = 4 : i64, tpu.core_type = #tpu.core_type<sc_vector_subcore>, window_params = [{transform_indices = #map}, {transform_indices = #map1}, {transform_indices = #map1}]} {
    %mul3A = arith.constant 2 : i32
    %mul3A_0 = arith.muli %arg1, %mul3A : i32
    %add3A = arith.addi %mul3A_0, %arg0 : i32
    %mul3A_1 = arith.constant 43 : i32
    %mul3A_2 = arith.muli %add3A, %mul3A_1 : i32
    %scan3A = arith.constant 0 : i32
    %scan3A_3 = arith.constant 43 : i32
    %scan3A_4 = arith.addi %scan3A, %scan3A_3 : i32
    %scan3A_5 = arith.constant 1 : i32
    scf.for %scan3A_7 = %scan3A to %scan3A_4 step %scan3A_5  : i32 {
      %add3A_8 = arith.addi %mul3A_2, %scan3A_7 : i32
      %run_scoped3A = arith.constant 0 : i32
      "tpu.region"() ({
        %run_scoped3A_41 = tpu.sem_alloc : memref<!tpu.dma_semaphore, #tpu.memory_space<semaphore_mem>>
        %dma_start3A_42 = arith.constant 0 : i32
        %dma_start3A_43 = arith.constant 0 : i32
        %dma_start3A_44 = tpu.memref_slice %arg5[%run_scoped3A, %dma_start3A_42, %dma_start3A_43] : memref<1x11x24xi32, #tpu.memory_space<vmem>> -> memref<1x11x24xi32, #tpu.memory_space<vmem>>
        %dma_start3A_45 = tpu.memref_squeeze %dma_start3A_44 : memref<1x11x24xi32, #tpu.memory_space<vmem>> -> memref<11x24xi32, #tpu.memory_space<vmem>>
        %dma_start3A_46 = arith.constant 0 : i32
        %dma_start3A_47 = arith.constant 0 : i32
        %dma_start3A_48 = tpu.memref_slice %arg2[%add3A_8, %dma_start3A_46, %dma_start3A_47] : memref<1376x11x24xi32, #tpu.memory_space<hbm>> -> memref<1x11x24xi32, #tpu.memory_space<hbm>>
        %dma_start3A_49 = tpu.memref_squeeze %dma_start3A_48 : memref<1x11x24xi32, #tpu.memory_space<hbm>> -> memref<11x24xi32, #tpu.memory_space<hbm>>
        %dma_start3A_50 = arith.constant 0 : i32
        %dma_start3A_51 = arith.constant 0 : i32
        %dma_start3A_52 = tpu.memref_slice %arg5[%run_scoped3A, %dma_start3A_50, %dma_start3A_51] : memref<1x11x24xi32, #tpu.memory_space<vmem>> -> memref<1x11x24xi32, #tpu.memory_space<vmem>>
        %dma_start3A_53 = tpu.memref_squeeze %dma_start3A_52 : memref<1x11x24xi32, #tpu.memory_space<vmem>> -> memref<11x24xi32, #tpu.memory_space<vmem>>
        %dma_start3A_54 = arith.constant 0 : i32
        %dma_start3A_55 = arith.constant 0 : i32
        %dma_start3A_56 = tpu.memref_slice %arg2[%add3A_8, %dma_start3A_54, %dma_start3A_55] : memref<1376x11x24xi32, #tpu.memory_space<hbm>> -> memref<1x11x24xi32, #tpu.memory_space<hbm>>
        %dma_start3A_57 = tpu.memref_squeeze %dma_start3A_56 : memref<1x11x24xi32, #tpu.memory_space<hbm>> -> memref<11x24xi32, #tpu.memory_space<hbm>>
        tpu.enqueue_dma source(%dma_start3A_57 : memref<11x24xi32, #tpu.memory_space<hbm>>) target(%dma_start3A_53 : memref<11x24xi32, #tpu.memory_space<vmem>>) target_semaphore(%run_scoped3A_41 : memref<!tpu.dma_semaphore, #tpu.memory_space<semaphore_mem>>)
        %dma_wait3A_58 = arith.constant 0 : i32
        %dma_wait3A_59 = arith.constant 0 : i32
        %dma_wait3A_60 = tpu.memref_slice %arg5[%run_scoped3A, %dma_wait3A_58, %dma_wait3A_59] : memref<1x11x24xi32, #tpu.memory_space<vmem>> -> memref<1x11x24xi32, #tpu.memory_space<vmem>>
        %dma_wait3A_61 = tpu.memref_squeeze %dma_wait3A_60 : memref<1x11x24xi32, #tpu.memory_space<vmem>> -> memref<11x24xi32, #tpu.memory_space<vmem>>
        %dma_wait3A_62 = arith.constant 0 : i32
        %dma_wait3A_63 = arith.constant 0 : i32
        %dma_wait3A_64 = tpu.memref_slice %arg2[%add3A_8, %dma_wait3A_62, %dma_wait3A_63] : memref<1376x11x24xi32, #tpu.memory_space<hbm>> -> memref<1x11x24xi32, #tpu.memory_space<hbm>>
        %dma_wait3A_65 = tpu.memref_squeeze %dma_wait3A_64 : memref<1x11x24xi32, #tpu.memory_space<hbm>> -> memref<11x24xi32, #tpu.memory_space<hbm>>
        %dma_wait3A_66 = arith.constant 0 : i32
        %dma_wait3A_67 = arith.constant 0 : i32
        %dma_wait3A_68 = tpu.memref_slice %arg5[%run_scoped3A, %dma_wait3A_66, %dma_wait3A_67] : memref<1x11x24xi32, #tpu.memory_space<vmem>> -> memref<1x11x24xi32, #tpu.memory_space<vmem>>
        %dma_wait3A_69 = tpu.memref_squeeze %dma_wait3A_68 : memref<1x11x24xi32, #tpu.memory_space<vmem>> -> memref<11x24xi32, #tpu.memory_space<vmem>>
        %dma_wait3A_70 = arith.constant 0 : i32
        %dma_wait3A_71 = arith.constant 0 : i32
        %dma_wait3A_72 = tpu.memref_slice %arg2[%add3A_8, %dma_wait3A_70, %dma_wait3A_71] : memref<1376x11x24xi32, #tpu.memory_space<hbm>> -> memref<1x11x24xi32, #tpu.memory_space<hbm>>
        %dma_wait3A_73 = tpu.memref_squeeze %dma_wait3A_72 : memref<1x11x24xi32, #tpu.memory_space<hbm>> -> memref<11x24xi32, #tpu.memory_space<hbm>>
        tpu.wait_dma2 semaphore(%run_scoped3A_41 : memref<!tpu.dma_semaphore, #tpu.memory_space<semaphore_mem>>) src(%dma_wait3A_73 : memref<11x24xi32, #tpu.memory_space<hbm>>) dst(%dma_wait3A_69 : memref<11x24xi32, #tpu.memory_space<vmem>>)
        tpu.yield
      }) : () -> ()
      %dma_start3A = arith.constant 0 : i32
      %dma_start3A_9 = arith.constant 0 : i32
      %dma_start3A_10 = arith.constant 0 : i32
      %dma_start3A_11 = arith.constant 0 : i32
      %dma_start3A_12 = arith.constant 0 : i32
      %dma_start3A_13 = tpu.memref_slice %arg6[%dma_start3A_10, %dma_start3A_11, %dma_start3A_12] : memref<1x24x768xf32, #tpu.memory_space<vmem>> -> memref<1x24x768xf32, #tpu.memory_space<vmem>>
      %dma_start3A_14 = tpu.memref_squeeze %dma_start3A_13 : memref<1x24x768xf32, #tpu.memory_space<vmem>> -> memref<24x768xf32, #tpu.memory_space<vmem>>
      %dma_start3A_15 = arith.constant 0 : i32
      %dma_start3A_16 = tpu.memref_slice %arg5[%dma_start3A, %dma_start3A_9, %dma_start3A_15] : memref<1x11x24xi32, #tpu.memory_space<vmem>> -> memref<1x1x24xi32, #tpu.memory_space<vmem>>
      %dma_start3A_17 = tpu.memref_squeeze %dma_start3A_16 : memref<1x1x24xi32, #tpu.memory_space<vmem>> -> memref<24xi32, #tpu.memory_space<vmem>>
      %dma_start3A_18 = arith.constant 0 : i32
      %dma_start3A_19 = arith.constant 0 : i32
      %dma_start3A_20 = tpu.memref_slice %arg3[%dma_start3A_18, %dma_start3A_19] : memref<5634x768xf32, #tpu.memory_space<hbm>> -> memref<5634x768xf32, #tpu.memory_space<hbm>>
      tpu.enqueue_indirect_dma source(%dma_start3A_20 : memref<5634x768xf32, #tpu.memory_space<hbm>>) target(%dma_start3A_14 : memref<24x768xf32, #tpu.memory_space<vmem>>) offsets(%dma_start3A_17 : memref<24xi32, #tpu.memory_space<vmem>>) semaphore(%arg8 : memref<!tpu.dma_semaphore, #tpu.memory_space<semaphore_mem>>)
      %dma_wait3A = arith.constant 0 : i32
      %dma_wait3A_21 = arith.constant 0 : i32
      %dma_wait3A_22 = arith.constant 0 : i32
      %dma_wait3A_23 = arith.constant 0 : i32
      %dma_wait3A_24 = arith.constant 0 : i32
      %dma_wait3A_25 = tpu.memref_slice %arg6[%dma_wait3A_22, %dma_wait3A_23, %dma_wait3A_24] : memref<1x24x768xf32, #tpu.memory_space<vmem>> -> memref<1x24x768xf32, #tpu.memory_space<vmem>>
      %dma_wait3A_26 = tpu.memref_squeeze %dma_wait3A_25 : memref<1x24x768xf32, #tpu.memory_space<vmem>> -> memref<24x768xf32, #tpu.memory_space<vmem>>
      %dma_wait3A_27 = arith.constant 0 : i32
      %dma_wait3A_28 = tpu.memref_slice %arg5[%dma_wait3A, %dma_wait3A_21, %dma_wait3A_27] : memref<1x11x24xi32, #tpu.memory_space<vmem>> -> memref<1x1x24xi32, #tpu.memory_space<vmem>>
      %dma_wait3A_29 = tpu.memref_squeeze %dma_wait3A_28 : memref<1x1x24xi32, #tpu.memory_space<vmem>> -> memref<24xi32, #tpu.memory_space<vmem>>
      %dma_wait3A_30 = arith.constant 0 : i32
      %dma_wait3A_31 = arith.constant 0 : i32
      %dma_wait3A_32 = tpu.memref_slice %arg3[%dma_wait3A_30, %dma_wait3A_31] : memref<5634x768xf32, #tpu.memory_space<hbm>> -> memref<5634x768xf32, #tpu.memory_space<hbm>>
      tpu.wait_indirect_dma semaphore(%arg8 : memref<!tpu.dma_semaphore, #tpu.memory_space<semaphore_mem>>) src(%dma_wait3A_32 : memref<5634x768xf32, #tpu.memory_space<hbm>>) dst(%dma_wait3A_26 : memref<24x768xf32, #tpu.memory_space<vmem>>)
      %scan3A_33 = arith.constant 1 : i32
      %scan3A_34 = arith.constant 10 : i32
      %scan3A_35 = arith.addi %scan3A_33, %scan3A_34 : i32
      %scan3A_36 = arith.constant 1 : i32
      scf.for %scan3A_41 = %scan3A_33 to %scan3A_35 step %scan3A_36  : i32 {
        %dma_start3A_42 = arith.constant 0 : i32
        %dma_start3A_43 = arith.constant 0 : i32
        %dma_start3A_44 = arith.constant 0 : i32
        %dma_start3A_45 = arith.constant 0 : i32
        %dma_start3A_46 = tpu.memref_slice %arg7[%dma_start3A_43, %dma_start3A_44, %dma_start3A_45] : memref<1x24x768xf32, #tpu.memory_space<vmem>> -> memref<1x24x768xf32, #tpu.memory_space<vmem>>
        %dma_start3A_47 = tpu.memref_squeeze %dma_start3A_46 : memref<1x24x768xf32, #tpu.memory_space<vmem>> -> memref<24x768xf32, #tpu.memory_space<vmem>>
        %dma_start3A_48 = arith.constant 0 : i32
        %dma_start3A_49 = tpu.memref_slice %arg5[%dma_start3A_42, %scan3A_41, %dma_start3A_48] : memref<1x11x24xi32, #tpu.memory_space<vmem>> -> memref<1x1x24xi32, #tpu.memory_space<vmem>>
        %dma_start3A_50 = tpu.memref_squeeze %dma_start3A_49 : memref<1x1x24xi32, #tpu.memory_space<vmem>> -> memref<24xi32, #tpu.memory_space<vmem>>
        %dma_start3A_51 = arith.constant 0 : i32
        %dma_start3A_52 = arith.constant 0 : i32
        %dma_start3A_53 = tpu.memref_slice %arg3[%dma_start3A_51, %dma_start3A_52] : memref<5634x768xf32, #tpu.memory_space<hbm>> -> memref<5634x768xf32, #tpu.memory_space<hbm>>
        tpu.enqueue_indirect_dma source(%dma_start3A_53 : memref<5634x768xf32, #tpu.memory_space<hbm>>) target(%dma_start3A_47 : memref<24x768xf32, #tpu.memory_space<vmem>>) offsets(%dma_start3A_50 : memref<24xi32, #tpu.memory_space<vmem>>) semaphore(%arg8 : memref<!tpu.dma_semaphore, #tpu.memory_space<semaphore_mem>>)
        %dma_wait3A_54 = arith.constant 0 : i32
        %dma_wait3A_55 = arith.constant 0 : i32
        %dma_wait3A_56 = arith.constant 0 : i32
        %dma_wait3A_57 = arith.constant 0 : i32
        %dma_wait3A_58 = tpu.memref_slice %arg7[%dma_wait3A_55, %dma_wait3A_56, %dma_wait3A_57] : memref<1x24x768xf32, #tpu.memory_space<vmem>> -> memref<1x24x768xf32, #tpu.memory_space<vmem>>
        %dma_wait3A_59 = tpu.memref_squeeze %dma_wait3A_58 : memref<1x24x768xf32, #tpu.memory_space<vmem>> -> memref<24x768xf32, #tpu.memory_space<vmem>>
        %dma_wait3A_60 = arith.constant 0 : i32
        %dma_wait3A_61 = tpu.memref_slice %arg5[%dma_wait3A_54, %scan3A_41, %dma_wait3A_60] : memref<1x11x24xi32, #tpu.memory_space<vmem>> -> memref<1x1x24xi32, #tpu.memory_space<vmem>>
        %dma_wait3A_62 = tpu.memref_squeeze %dma_wait3A_61 : memref<1x1x24xi32, #tpu.memory_space<vmem>> -> memref<24xi32, #tpu.memory_space<vmem>>
        %dma_wait3A_63 = arith.constant 0 : i32
        %dma_wait3A_64 = arith.constant 0 : i32
        %dma_wait3A_65 = tpu.memref_slice %arg3[%dma_wait3A_63, %dma_wait3A_64] : memref<5634x768xf32, #tpu.memory_space<hbm>> -> memref<5634x768xf32, #tpu.memory_space<hbm>>
        tpu.wait_indirect_dma semaphore(%arg8 : memref<!tpu.dma_semaphore, #tpu.memory_space<semaphore_mem>>) src(%dma_wait3A_65 : memref<5634x768xf32, #tpu.memory_space<hbm>>) dst(%dma_wait3A_59 : memref<24x768xf32, #tpu.memory_space<vmem>>)
        %scan3A_66 = arith.constant 0 : i32
        %scan3A_67 = arith.constant 1152 : i32
        %scan3A_68 = arith.addi %scan3A_66, %scan3A_67 : i32
        %scan3A_69 = arith.constant 1 : i32
        scf.for %scan3A_71 = %scan3A_66 to %scan3A_68 step %scan3A_69  : i32 {
          %jit3A = arith.constant 48 : i32
          %div3A = arith.divsi %scan3A_71, %jit3A : i32
          %sign3A = arith.constant 0 : i32
          %sign3A_72 = arith.cmpi sgt, %scan3A_71, %sign3A : i32
          %sign3A_73 = arith.extui %sign3A_72 : i1 to i32
          %sign3A_74 = arith.constant 0 : i32
          %sign3A_75 = arith.cmpi slt, %scan3A_71, %sign3A_74 : i32
          %sign3A_76 = arith.extui %sign3A_75 : i1 to i32
          %sign3A_77 = arith.subi %sign3A_73, %sign3A_76 : i32
          %sign3A_78 = arith.constant 0 : i32
          %sign3A_79 = arith.cmpi sgt, %jit3A, %sign3A_78 : i32
          %sign3A_80 = arith.extui %sign3A_79 : i1 to i32
          %sign3A_81 = arith.constant 0 : i32
          %sign3A_82 = arith.cmpi slt, %jit3A, %sign3A_81 : i32
          %sign3A_83 = arith.extui %sign3A_82 : i1 to i32
          %sign3A_84 = arith.subi %sign3A_80, %sign3A_83 : i32
          %ne3A = arith.cmpi ne, %sign3A_77, %sign3A_84 : i32
          %rem3A = arith.remsi %scan3A_71, %jit3A : i32
          %ne3A_85 = arith.constant 0 : i32
          %ne3A_86 = arith.cmpi ne, %rem3A, %ne3A_85 : i32
          %and3A = arith.andi %ne3A, %ne3A_86 : i1
          %sub3A = arith.constant 1 : i32
          %sub3A_87 = arith.subi %div3A, %sub3A : i32
          %select_n3A = arith.select %and3A, %sub3A_87, %div3A : i32
          %jit3A_88 = arith.constant 48 : i32
          %eq3A = arith.constant 0 : i32
          %eq3A_89 = arith.cmpi eq, %jit3A_88, %eq3A : i32
          %jit3A_90 = arith.constant 1 : i32
          %select_n3A_91 = arith.select %eq3A_89, %jit3A_90, %jit3A_88 : i32
          %rem3A_92 = arith.remsi %scan3A_71, %select_n3A_91 : i32
          %ne3A_93 = arith.constant 0 : i32
          %ne3A_94 = arith.cmpi ne, %rem3A_92, %ne3A_93 : i32
          %lt3A = arith.constant 0 : i32
          %lt3A_95 = arith.cmpi slt, %rem3A_92, %lt3A : i32
          %lt3A_96 = arith.constant 0 : i32
          %lt3A_97 = arith.cmpi slt, %select_n3A_91, %lt3A_96 : i32
          %ne3A_98 = arith.xori %lt3A_95, %lt3A_97 : i1
          %and3A_99 = arith.andi %ne3A_98, %ne3A_94 : i1
          %add3A_100 = arith.addi %rem3A_92, %select_n3A_91 : i32
          %select_n3A_101 = arith.select %and3A_99, %add3A_100, %rem3A_92 : i32
          %mul3A_102 = arith.constant 16 : i32
          %mul3A_103 = arith.muli %select_n3A_101, %mul3A_102 : i32
          %get3A = arith.constant 0 : i32
          %get3A_104 = arith.index_cast %get3A : i32 to index
          %get3A_105 = arith.index_cast %select_n3A : i32 to index
          %get3A_106 = arith.index_cast %mul3A_103 : i32 to index
          %get3A_107 = tpu.vector_load %arg7[%get3A_104, %get3A_105, %get3A_106] {strides = array<i32>} : memref<1x24x768xf32, #tpu.memory_space<vmem>>, vector<1x1x16xf32>,
          %get3A_108 = vector.shape_cast %get3A_107 : vector<1x1x16xf32> to vector<16xf32>
          %mul3A_109 = arith.constant 16 : i32
          %mul3A_110 = arith.muli %select_n3A_101, %mul3A_109 : i32
          %swap3A = arith.constant 0 : i32
          %swap3A_111 = arith.index_cast %swap3A : i32 to index
          %swap3A_112 = arith.index_cast %select_n3A : i32 to index
          %swap3A_113 = arith.index_cast %mul3A_110 : i32 to index
          %swap3A_114 = tpu.vector_load %arg6[%swap3A_111, %swap3A_112, %swap3A_113] {strides = array<i32>} : memref<1x24x768xf32, #tpu.memory_space<vmem>>, vector<1x1x16xf32>,
          %swap3A_115 = vector.shape_cast %swap3A_114 : vector<1x1x16xf32> to vector<16xf32>
          %swap3A_116 = vector.shape_cast %get3A_108 : vector<16xf32> to vector<1x1x16xf32>
          tpu.vector_store %arg6[%swap3A_111, %swap3A_112, %swap3A_113], %swap3A_116 {add = true, strides = array<i32>} : memref<1x24x768xf32, #tpu.memory_space<vmem>>, vector<1x1x16xf32>,
        }
        %scan3A_70 = arith.constant 1152 : i32
      }
      %scan3A_37 = arith.constant 10 : i32
      %mul3A_38 = arith.constant 24 : i32
      %mul3A_39 = arith.muli %add3A_8, %mul3A_38 : i32
      %run_scoped3A_40 = arith.constant 0 : i32
      "tpu.region"() ({
        %run_scoped3A_41 = tpu.sem_alloc : memref<!tpu.dma_semaphore, #tpu.memory_space<semaphore_mem>>
        %dma_start3A_42 = arith.constant 0 : i32
        %dma_start3A_43 = arith.constant 0 : i32
        %dma_start3A_44 = tpu.memref_slice %arg6[%run_scoped3A_40, %dma_start3A_42, %dma_start3A_43] : memref<1x24x768xf32, #tpu.memory_space<vmem>> -> memref<1x24x768xf32, #tpu.memory_space<vmem>>
        %dma_start3A_45 = tpu.memref_squeeze %dma_start3A_44 : memref<1x24x768xf32, #tpu.memory_space<vmem>> -> memref<24x768xf32, #tpu.memory_space<vmem>>
        %dma_start3A_46 = arith.constant 0 : i32
        %dma_start3A_47 = tpu.memref_slice %arg4[%mul3A_39, %dma_start3A_46] : memref<33024x768xf32, #tpu.memory_space<hbm>> -> memref<24x768xf32, #tpu.memory_space<hbm>>
        %dma_start3A_48 = arith.constant 0 : i32
        %dma_start3A_49 = tpu.memref_slice %arg4[%mul3A_39, %dma_start3A_48] : memref<33024x768xf32, #tpu.memory_space<hbm>> -> memref<24x768xf32, #tpu.memory_space<hbm>>
        %dma_start3A_50 = arith.constant 0 : i32
        %dma_start3A_51 = arith.constant 0 : i32
        %dma_start3A_52 = tpu.memref_slice %arg6[%run_scoped3A_40, %dma_start3A_50, %dma_start3A_51] : memref<1x24x768xf32, #tpu.memory_space<vmem>> -> memref<1x24x768xf32, #tpu.memory_space<vmem>>
        %dma_start3A_53 = tpu.memref_squeeze %dma_start3A_52 : memref<1x24x768xf32, #tpu.memory_space<vmem>> -> memref<24x768xf32, #tpu.memory_space<vmem>>
        tpu.enqueue_dma source(%dma_start3A_53 : memref<24x768xf32, #tpu.memory_space<vmem>>) target(%dma_start3A_49 : memref<24x768xf32, #tpu.memory_space<hbm>>) target_semaphore(%run_scoped3A_41 : memref<!tpu.dma_semaphore, #tpu.memory_space<semaphore_mem>>)
        %dma_wait3A_54 = arith.constant 0 : i32
        %dma_wait3A_55 = arith.constant 0 : i32
        %dma_wait3A_56 = tpu.memref_slice %arg6[%run_scoped3A_40, %dma_wait3A_54, %dma_wait3A_55] : memref<1x24x768xf32, #tpu.memory_space<vmem>> -> memref<1x24x768xf32, #tpu.memory_space<vmem>>
        %dma_wait3A_57 = tpu.memref_squeeze %dma_wait3A_56 : memref<1x24x768xf32, #tpu.memory_space<vmem>> -> memref<24x768xf32, #tpu.memory_space<vmem>>
        %dma_wait3A_58 = arith.constant 0 : i32
        %dma_wait3A_59 = tpu.memref_slice %arg4[%mul3A_39, %dma_wait3A_58] : memref<33024x768xf32, #tpu.memory_space<hbm>> -> memref<24x768xf32, #tpu.memory_space<hbm>>
        %dma_wait3A_60 = arith.constant 0 : i32
        %dma_wait3A_61 = tpu.memref_slice %arg4[%mul3A_39, %dma_wait3A_60] : memref<33024x768xf32, #tpu.memory_space<hbm>> -> memref<24x768xf32, #tpu.memory_space<hbm>>
        %dma_wait3A_62 = arith.constant 0 : i32
        %dma_wait3A_63 = arith.constant 0 : i32
        %dma_wait3A_64 = tpu.memref_slice %arg6[%run_scoped3A_40, %dma_wait3A_62, %dma_wait3A_63] : memref<1x24x768xf32, #tpu.memory_space<vmem>> -> memref<1x24x768xf32, #tpu.memory_space<vmem>>
        %dma_wait3A_65 = tpu.memref_squeeze %dma_wait3A_64 : memref<1x24x768xf32, #tpu.memory_space<vmem>> -> memref<24x768xf32, #tpu.memory_space<vmem>>
        tpu.wait_dma2 semaphore(%run_scoped3A_41 : memref<!tpu.dma_semaphore, #tpu.memory_space<semaphore_mem>>) src(%dma_wait3A_65 : memref<24x768xf32, #tpu.memory_space<vmem>>) dst(%dma_wait3A_61 : memref<24x768xf32, #tpu.memory_space<hbm>>)
        tpu.yield
      }) : () -> ()
    }
    %scan3A_6 = arith.constant 43 : i32
    return
  }
}

</mosaic_0001>

<sc_bundles>
// kernel: kernel.3.cloned.1.call-start
scs
__scs_entry_jumppad:
0x0: {  	(pc) =	sbr.rel $0x88, $3  }
0x1: {  	(tag) =	ssettag $0x0;
	lr =	simm.s32 $0x1  }
0x2: {  	[smem:$0x3F9A] =	sst lr;
	_ =	strace $0xD0000000  }
0x3: {  	_ = 	snop  }
0x4: {  	_ = 	snop  }
0x5: {  	_ = 	snop  }
0x6: {  	_ = 	snop  }
0x7: {  	_ = 	snop  }
__scs_overlays_trampoline_lowered:
0x8: {  	[smem:$0x3FA9] =	sst s0  }
0x9: {  	[smem:$0x3FAA] =	sst s1  }
0xa: {  	[smem:$0x3FAB] =	sst s2  }
0xb: {  	[smem:$0x3FAC] =	sst s3  }
0xc: {  	[smem:$0x3FAD] =	sst s4  }
0xd: {  	[smem:$0x3FAE] =	sst s5  }
0xe: {  	[smem:$0x3FAF] =	sst s6  }
0xf: {  	[smem:$0x3FB0] =	sst s7  }
0x10: {  	[smem:$0x3FB1] =	sst s8  }
0x11: {  	[smem:$0x3FB2] =	sst s9;
	s0 =	simm.s32 @!p0 $0x0  }
0x12: {  	s1 =	sld [smem:$0x3F98];
	s0 =	simm.s32 @p0 $0x1  }
0x13: {  	[smem:$0x3FB3] =	sst s0;
	s0 =	simm.s32 @!p1 $0x0  }
0x14: {  	s2 =	sld [smem:$0x3F97];
	s0 =	simm.s32 @p1 $0x1  }
0x15: {  	[smem:$0x3FB4] =	sst s0;
	s0 =	simm.s32 @!p2 $0x0  }
0x16: {  	s3 =	sld [smem:$0x3FDB];
	s0 =	simm.s32 @p2 $0x1  }
0x17: {  	s4 =	simm.s32 $0x1BF5;
	[smem:$0x3FB6] =	sst s0  }
0x18: {  	s0 =	sld [smem:$0x3F99];
	_ =	swait.ge [sflag:s4], $0x0  }
0x19: {  	s7 =	sld [smem:$0x3F9A]  }
0x1a: {  	s8 =	sadd.s32 $0xFFFFE003, lr  }
0x1b: {  	s9 =	sadd.s32 $0xFFFFFEF7, lr;
	s5 =	simm.s32 $0xFFFFFFFF;
	p2 =	slt.u32 s8, $0xFFFFF086  }
0x1c: {  	p1 =	slt.u32 s9, $0xF7A;
	s5 =	simm.s32 @!p2 $0x0  }
0x1d: {  	s5 =	simm.s32 @p1 $0x1;
	p0 =	seq.s32 s7, s2  }
0x1e: {  	s7 =	smul.u32 @!p0 $0xF7A, s2;
	p2 =	seq.s32 @!p0 s5, $0x0  }
0x1f: {  	s9 =	smul.u32 $0xF7A, s1;
	s8 =	simm.s32 @!p0 $0x1BF5;
	p2 =	por !p2, p0  }
0x20: {  	[sflag:s8] =	ssyncset.s32 @!p0 $0xFFFFF086;
	s6 =	sadd.s32 @!p0 s3, s7;
	s7 =	simm.s32 @!p0 $0x108  }
0x21: {  	s3 =	sadd.s32 s3, s9;
	s6 =	sadd.s32 @!p0 $0x88, s6;
	s7 =	simm.s32 @p2 $0x1082  }
0x22: {  	[simem:s7], [sflag:s8] =	dma.local @!p0 [hbm:s6], $0xF7A  }
0x23: {  	s9 =	sor.u32 $0xD0000000, s2;
	s6 =	simm.s32 $0x108;
	_ =	swait.ge @!p0 [sflag:s8], $0x0  }
0x24: {  	s3 =	sadd.s32 $0x88, s3;
	s6 =	simm.s32 @!p1 $0x1082;
	[sflag:s4] =	ssyncset.s32 $0xFFFFF086  }
0x25: {  	[simem:s6], [sflag:s4] =	dma.local [hbm:s3], $0xF7A  }
0x26: {  	[smem:$0x3F9A] =	sst s1;
	(tag) =	ssettag s2;
	_ =	strace s9  }
0x27: {  	s1 =	sld [smem:$0x3FAA]  }
0x28: {  	s2 =	sld [smem:$0x3FAB]  }
0x29: {  	s4 =	sld [smem:$0x3FAD]  }
0x2a: {  	p0 =	seq.s32 s5, $0x0;
	s5 =	sld [smem:$0x3FAE]  }
0x2b: {  	s6 =	sld [smem:$0x3FAF]  }
0x2c: {  	s7 =	sld [smem:$0x3FB0]  }
0x2d: {  	s3 =	simm.s32 $0x108;
	s8 =	sld [smem:$0x3FB1]  }
0x2e: {  	s3 =	simm.s32 @!p0 $0x1082;
	s9 =	sld [smem:$0x3FB2]  }
0x2f: {  	lr =	sadd.s32 s0, s3;
	s0 =	sld [smem:$0x3FA9]  }
0x30: {  	s3 =	sld [smem:$0x3FAC]  }
0x31: {  	[smem:$0x3FB5] =	sst s10  }
0x32: {  	s10 =	sld [smem:$0x3FB3];
	_ =	sdelay $0x3  }
0x33: {  	p0 =	seq.s32 s10, $0x1;
	s10 =	sld [smem:$0x3FB5];
	_ =	sdelay $0x3  }
0x34: {  	[smem:$0x3FB5] =	sst s10  }
0x35: {  	s10 =	sld [smem:$0x3FB4];
	_ =	sdelay $0x3  }
0x36: {  	p1 =	seq.s32 s10, $0x1;
	s10 =	sld [smem:$0x3FB5];
	_ =	sdelay $0x3  }
0x37: {  	[smem:$0x3FB5] =	sst s10  }
0x38: {  	s10 =	sld [smem:$0x3FB6]  }
0x39: {  	_ = 	snop;
	(pc) =	sbr.ind lr, $3  }
0x3a: {  	_ = 	snop  }
0x3b: {  	_ = 	snop  }
0x3c: {  	p2 =	seq.s32 s10, $0x1;
	s10 =	sld [smem:$0x3FB5]  }
0x3d: {  	_ =	shalt  }
0x3e: {  	_ =	shalt  }
0x3f: {  	_ =	shalt  }
0x40: {  	_ =	shalt  }
0x41: {  	_ =	shalt  }
0x42: {  	_ =	shalt  }
0x43: {  	_ =	shalt  }
0x44: {  	_ =	shalt  }
0x45: {  	_ =	shalt  }
0x46: {  	_ =	shalt  }
0x47: {  	_ =	shalt  }
0x48: {  	_ =	shalt  }
0x49: {  	_ =	shalt  }
0x4a: {  	_ =	shalt  }
0x4b: {  	_ =	shalt  }
0x4c: {  	_ =	shalt  }
0x4d: {  	_ =	shalt  }
0x4e: {  	_ =	shalt  }
0x4f: {  	_ =	shalt  }
0x50: {  	_ =	shalt  }
0x51: {  	_ =	shalt  }
0x52: {  	_ =	shalt  }
0x53: {  	_ =	shalt  }
0x54: {  	_ =	shalt  }
0x55: {  	_ =	shalt  }
0x56: {  	_ =	shalt  }
0x57: {  	_ =	shalt  }
0x58: {  	_ =	shalt  }
0x59: {  	_ =	shalt  }
0x5a: {  	_ =	shalt  }
0x5b: {  	_ =	shalt  }
0x5c: {  	_ =	shalt  }
0x5d: {  	_ =	shalt  }
0x5e: {  	_ =	shalt  }
0x5f: {  	_ =	shalt  }
0x60: {  	_ =	shalt  }
0x61: {  	_ =	shalt  }
0x62: {  	_ =	shalt  }
0x63: {  	_ =	shalt  }
0x64: {  	_ =	shalt  }
0x65: {  	_ =	shalt  }
0x66: {  	_ =	shalt  }
0x67: {  	_ =	shalt  }
0x68: {  	_ =	shalt  }
0x69: {  	_ =	shalt  }
0x6a: {  	_ =	shalt  }
0x6b: {  	_ =	shalt  }
0x6c: {  	_ =	shalt  }
0x6d: {  	_ =	shalt  }
0x6e: {  	_ =	shalt  }
0x6f: {  	_ =	shalt  }
0x70: {  	_ =	shalt  }
0x71: {  	_ =	shalt  }
0x72: {  	_ =	shalt  }
0x73: {  	_ =	shalt  }
0x74: {  	_ =	shalt  }
0x75: {  	_ =	shalt  }
0x76: {  	_ =	shalt  }
0x77: {  	_ =	shalt  }
0x78: {  	_ =	shalt  }
0x79: {  	_ =	shalt  }
0x7a: {  	_ =	shalt  }
0x7b: {  	_ =	shalt  }
0x7c: {  	_ =	shalt  }
0x7d: {  	_ =	shalt  }
0x7e: {  	_ =	shalt  }
0x7f: {  	_ =	shalt  }
0x80: {  	_ =	shalt  }
0x81: {  	_ =	shalt  }
0x82: {  	_ =	shalt  }
0x83: {  	_ =	shalt  }
0x84: {  	_ =	shalt  }
0x85: {  	_ =	shalt  }
0x86: {  	_ =	shalt  }
0x87: {  	_ =	shalt  }
.Lfunc_end0:
.L_simem_size_0:
called_computation.1_lowered:
.L_overlay_start_0:
0x88: {  	s2 =	sld [smem:$0x3FD9]  }
0x89: {  	s3 =	sld [smem:$0x3FFE];
	_ =	sdelay $0x1  }
0x8a: {  	s1 =	srdreg.scid  }
0x8b: {  	s0 =	sand.u32 $0x1, s1  }
0x8c: {  	s17 =	sshll.u32 s0, $0xA;
	s2 =	sadd.s32 s3, s2  }
0x8d: {  	s2 =	sadd.s32 s2, s17  }
0x8e: {  	[smem:$0x3FC1] =	sst s2  }
0x8f: {  	_ = 	snop  }
0x90: {  	s2 =	sld [smem:$0x3FD0];
	(tm) =	ssettm $0x1  }
0x91: {  	s18 =	sld [smem:$0x3FFB];
	_ =	sdelay $0x3  }
0x92: {  	_ =	strace s18  }
0x93: {  	s3 =	sld [smem:$0x3FFC];
	_ =	sdelay $0x3  }
0x94: {  	_ =	strace s3  }
0x95: {  	s3 =	sld [smem:$0x3FFD];
	_ =	sdelay $0x3  }
0x96: {  	_ =	strace s3  }
0x97: {  	_ =	strace $0x8FFFFFFF  }
0x98: {  	s19 =	sld [smem:$0x3FDB];
	_ =	sdelay $0x1  }
0x99: {  	s4 =	simm.s32 $_scs_section_size  }
0x9a: {  	s5 =	simm.s32 $_size__tile_overlayer_lowered;
	s6 =	simm.s32 $_tile_overlayer_lowered  }
0x9b: {  	s22 =	simm.s32 $0x1BFF;
	s21 =	sshll.u32 s6, $0x1;
	s3 =	sadd.s32 s4, s19  }
0x9c: {  	s7 =	simm.s32 $0x0;
	s20 =	sshll.u32 s5, $0x1;
	s5 =	sadd.s32 s21, s3  }
0x9d: {  	[timem:s7], [sflag:s22] =	dma.local [hbm:s5], s20  }
0x9e: {  	_ =	swait.ge [sflag:s22], s20  }
0x9f: {  	s4 =	ssub.s32 $0x0, s20;
	[sflag:s22] =	ssyncset.done $0x0  }
0xa0: {  	[sflag:s22] =	ssyncadd.s32 s4;
	_ =	sdelay $0x1  }
0xa1: {  	s23 =	simm.s32 $0x1B8B  }
0xa2: {  	_ =	swait.ge [sflag:s23], $0x1  }
0xa3: {  	[sflag:s23] =	ssyncset.done $0x0  }
0xa4: {  	s25 =	simm.s32 $0x1B8E;
	s24 =	sld [smem:$0x3FFE];
	[sflag:s23] =	ssyncadd.s32 $0xFFFFFFFF  }
0xa5: {  	s26 =	simm.s32 $execute0_lowered;
	[smem:$0x3FD2] =	sst s25  }
0xa6: {  	s5 =	sshll.u32 s26, $0x1;
	_ =	strace $0x80000046;
	[dreg:$0x1] =	wrdreg $0xFFFFFFFF  }
0xa7: {  	s28 =	simm.s32 $_size_execute0_lowered;
	s3 =	sadd.s32 s3, s5;
	[dreg:$0x0] =	wrdreg $0x0  }
0xa8: {  	s5 =	sshll.u32 s28, $0x1;
	[dreg:$0x2] =	wrdreg s3  }
0xa9: {  	[dreg:$0x3] =	wrdreg s5  }
0xaa: {  	[dreg:$0x4] =	wrdreg $0xC0  }
0xab: {  	_ =	task [dreg:s7], $0x5FFFF  }
0xac: {  	[dreg:$0x1] =	wrdreg $0xFFFFFFFF  }
0xad: {  	[dreg:$0x0] =	wrdreg $0x60  }
0xae: {  	[dreg:$0x2] =	wrdreg s24  }
0xaf: {  	[dreg:$0x3] =	wrdreg s2  }
0xb0: {  	[dreg:$0x4] =	wrdreg $0x9  }
0xb1: {  	_ =	task.clear_ibuf [dreg:s7], $0x5FFFF;
	_ =	strace $0x90000046  }
0xb2: {  	s29 =	simm.s32 $0x9;
	_ =	strace $0x80000048  }
0xb3: {  	_ =	swait.ge [sflag:s29], $0x1  }
0xb4: {  	[sflag:s29] =	ssyncadd.s32 $0xFFFFFFFF  }
0xb5: {  	_ =	strace $0x90000048  }
0xb6: {  	_ =	sfence  }
0xb7: {  	s30 =	sld [smem:$0x0];
	_ =	sdelay $0x2  }
0xb8: {  	s31 =	sshll.u32 s1, $0xD;
	s1 =	sshrl.u32 s1, $0x2  }
0xb9: {  	s3 =	sand.u32 $0x4000, s31;
	s1 =	sadd.s32 s1, s30  }
0xba: {  	s0 =	sor.u32 s3, s0;
	s1 =	sshll.u32 s1, $0x11  }
0xbb: {  	s0 =	sor.u32 s1, s0  }
0xbc: {  	s0 =	sadd.s32 $0x8F2B, s0  }
0xbd: {  	[sflag:s0] =	ssyncadd.remote.s32 $0x1  }
0xbe: {  	_ =	sfence.sel $0xFFFF  }
0xbf: {  	[dreg:$0x0] =	wrdreg $0xFFFFFFFF;
	(pc) =	sbr.abs _section_cstart, $3  }
0xc0: {  	[dreg:$0x1] =	wrdreg $0xFFFFFFFF  }
0xc1: {  	_ =	task.clear_ibuf [dreg:s7], $0x2FFFF;
	_ =	strace $0x9FFFFFFF  }
0xc2: {  	(tm) =	ssettm $0x7FFFFFFF  }
0xc3: {  	_ =	shalt  }
tec
execute0_lowered:
.L_overlay_start_1:
0x0: {  	(tag) =	ssettag $0x1  }
0x1: {  	s0 =	rddreg [dreg:$0x0];
	s3 =	simm.s32 $0x0  }
0x2: {  	s1 =	srdreg.scid;
	s4 =	stileid.u32;
	s10 =	simm.s32 $0x2  }
0x3: {  	s11 =	simm.s32 $0x800;
	s20 =	simm.s32 $0x5000;
	s21 =	simm.s32 $0x5800  }
0x4: {  	s22 =	simm.s32 $0x6000;
	s23 =	simm.s32 $0x6800;
	s24 =	simm.s32 $0x7000  }
0x5: {  	s25 =	simm.s32 $0x7800;
	s26 =	simm.s32 $0x8000;
	s28 =	simm.s32 $0x8800  }
0x6: {  	s29 =	simm.s32 $0x9000;
	s30 =	simm.s32 $0x1;
	s1 =	sand.u32 $0x1, s1  }
0x7: {  	[smem:$0x7FF] =	sst s3;
	s5 =	sshll.u32 s4, $0x1;
	s2 =	ssub.s32 $0x2, s1  }
0x8: {  	s4 =	sadd.s32 $0x2000, s0;
	s7 =	sadd.s32 $0x58100, s0;
	s6 =	sshrl.u32 s2, $0x1  }
0x9: {  	v2 =	vlaneseq.u32;
	s8 =	sadd.s32 $0x58200, s0;
	_ =	strace $0x80000047;
	s2 =	ssub.s32 s2, s6  }
0xa: {  	vm0 =	vmmov $0xffff;
	v1 =	vshrl.u32 v2, $0x3;
	s1 =	sor.u32 s1, s5;
	s5 =	sadd.s32 $0x58000, s0;
	s31 =	smax.u32 s2, $0x1  }
0xb: {  	v0 =	vand.u32 $0x7, v2;
	v2 =	vor.u32 $0x8, v2;
	v1 =	vmul.u32 $0x8, v1;
	s6 =	smul.u32 $0x2B, s1;
	s1 =	simm.s32 $0x0;
	[dreg:$0x3] =	wrdreg s31  }
.LBB2_1:
0xc: {  	[dreg:$0x4] =	wrdreg s1;
	s0 =	simm.s32 $0x0  }
.LBB2_2:
0xd: {  	s2 =	sadd.s32 s6, s0  }
0xe: {  	s1 =	sshll.u32 s2, $0x8  }
0xf: {  	s1 =	sadd.s32 s4, s1  }
0x10: {  	[tilespmem:s3], [sflag:$0x2] =	stream.linear.gather [hbm4b:s1+s3], $0x580, $0x38;
	[tilespmem:$0x9800] =	vst v63  }
0x11: {  	_ =	swait.ge [sflag:s10], $0x580  }
0x12: {  	[sflag:s10] =	ssyncset.done $0x0  }
0x13: {  	[sflag:s10] =	ssyncadd.s32 $0xFFFFFA80  }
0x14: {  	v3 =	vld [tilespmem:$0x0];
	_ =	sdelay $0x4  }
0x15: {  	v4 =	vshrl.u32 v3, $0x3  }
0x16: {  	v4 =	vmul.u32 $0x30, v4  }
0x17: {  	v3 =	vand.u32 $0x7, v3  }
0x18: {  	v3 =	vor.u32 v3, v4  }
0x19: {  	v4 =	vperm.xlane v3, v0;
	_ =	sdelay $0x1  }
0x1a: {  	v4 =	vadd.s32 v1, v4;
	_ =	sdelay $0x3  }
0x1b: {  	v3 =	vperm.xlane v3, v2  }
0x1c: {  	[tilespmem:s11], [sflag:$0x1] =	stream.indirect_vreg.gather [hbm4b:s5+s3], $0x80, v4, vm0, $0xb8;
	[tilespmem:$0x9800] =	vst v63  }
0x1d: {  	s13 =	simm.s32 $0x1000;
	v3 =	vadd.s32 v1, v3  }
0x1e: {  	[tilespmem:s13], [sflag:$0x1] =	stream.indirect_vreg.gather [hbm4b:s7+s3], $0x80, v4, vm0, $0xb8;
	[tilespmem:$0x9800] =	vst v63  }
0x1f: {  	s14 =	simm.s32 $0x1800  }
0x20: {  	[tilespmem:s14], [sflag:$0x1] =	stream.indirect_vreg.gather [hbm4b:s8+s3], $0x80, v4, vm0, $0xb8;
	[tilespmem:$0x9800] =	vst v63  }
0x21: {  	s15 =	simm.s32 $0x2000  }
0x22: {  	[tilespmem:s15], [sflag:$0x1] =	stream.indirect_vreg.gather [hbm4b:s5+s3], $0x80, v3, vm0, $0xb8;
	[tilespmem:$0x9800] =	vst v63  }
0x23: {  	s16 =	simm.s32 $0x2800  }
0x24: {  	[tilespmem:s16], [sflag:$0x1] =	stream.indirect_vreg.gather [hbm4b:s7+s3], $0x80, v3, vm0, $0xb8;
	[tilespmem:$0x9800] =	vst v63  }
0x25: {  	s17 =	simm.s32 $0x3000  }
0x26: {  	[tilespmem:s17], [sflag:$0x1] =	stream.indirect_vreg.gather [hbm4b:s8+s3], $0x80, v3, vm0, $0xb8;
	[tilespmem:$0x9800] =	vst v63  }
0x27: {  	v3 =	vld.msk [tilespmem:$0x10], $0xff;
	_ =	sdelay $0x4  }
0x28: {  	v63 =	vshrl.u32 v3, $0x3  }
0x29: {  	v4 =	vmul.u32 $0x30, v63  }
0x2a: {  	v3 =	vand.u32 $0x7, v3  }
0x2b: {  	v3 =	vor.u32 v3, v4  }
0x2c: {  	v3 =	vperm.xlane v3, v0;
	_ =	sdelay $0x1  }
0x2d: {  	v3 =	vadd.s32 v1, v3;
	_ =	sdelay $0x3  }
0x2e: {  	s18 =	simm.s32 $0x3800  }
0x2f: {  	[tilespmem:s18], [sflag:$0x1] =	stream.indirect_vreg.gather [hbm4b:s5+s3], $0x80, v3, vm0, $0xb8;
	[tilespmem:$0x9800] =	vst v63  }
0x30: {  	s19 =	simm.s32 $0x4000  }
0x31: {  	[tilespmem:s19], [sflag:$0x1] =	stream.indirect_vreg.gather [hbm4b:s7+s3], $0x80, v3, vm0, $0xb8;
	[tilespmem:$0x9800] =	vst v63  }
0x32: {  	s31 =	simm.s32 $0x4800;
	s9 =	simm.s32 $0x1  }
0x33: {  	[tilespmem:s31], [sflag:$0x1] =	stream.indirect_vreg.gather [hbm4b:s8+s3], $0x80, v3, vm0, $0xb8;
	[tilespmem:$0x9800] =	vst v63  }
0x34: {  	_ =	swait.ge [sflag:s9], $0x4800  }
0x35: {  	[sflag:s9] =	ssyncset.done $0x0  }
0x36: {  	[sflag:s9] =	ssyncadd.s32 $0xFFFFB800  }
.LBB2_3:
0x37: {  	s1 =	sshll.u32 s9, $0x7  }
0x38: {  	s1 =	sand.u32 $0x3FFFFF80, s1  }
0x39: {  	v3 =	vld [tilespmem:s1+$0x0];
	_ =	sdelay $0x4  }
0x3a: {  	v4 =	vshrl.u32 v3, $0x3  }
0x3b: {  	v4 =	vmul.u32 $0x30, v4  }
0x3c: {  	v3 =	vand.u32 $0x7, v3  }
0x3d: {  	v3 =	vor.u32 v3, v4  }
0x3e: {  	v4 =	vperm.xlane v3, v0;
	_ =	sdelay $0x1  }
0x3f: {  	v4 =	vadd.s32 v1, v4;
	_ =	sdelay $0x3  }
0x40: {  	s12 =	simm.s32 $0x0;
	v3 =	vperm.xlane v3, v2  }
0x41: {  	[tilespmem:s20], [sflag:$0x1] =	stream.indirect_vreg.gather [hbm4b:s5+s12], $0x80, v4, vm0, $0xb8;
	[tilespmem:$0x9800] =	vst v63  }
0x42: {  	v3 =	vadd.s32 v1, v3  }
0x43: {  	[tilespmem:s21], [sflag:$0x1] =	stream.indirect_vreg.gather [hbm4b:s7+s12], $0x80, v4, vm0, $0xb8;
	[tilespmem:$0x9800] =	vst v63  }
0x44: {  	_ = 	snop  }
0x45: {  	[tilespmem:s22], [sflag:$0x1] =	stream.indirect_vreg.gather [hbm4b:s8+s12], $0x80, v4, vm0, $0xb8;
	[tilespmem:$0x9800] =	vst v63  }
0x46: {  	_ = 	snop  }
0x47: {  	[tilespmem:s23], [sflag:$0x1] =	stream.indirect_vreg.gather [hbm4b:s5+s12], $0x80, v3, vm0, $0xb8;
	[tilespmem:$0x9800] =	vst v63  }
0x48: {  	_ = 	snop  }
0x49: {  	[tilespmem:s24], [sflag:$0x1] =	stream.indirect_vreg.gather [hbm4b:s7+s12], $0x80, v3, vm0, $0xb8;
	[tilespmem:$0x9800] =	vst v63  }
0x4a: {  	s1 =	sor.u32 $0x10, s1  }
0x4b: {  	[tilespmem:s25], [sflag:$0x1] =	stream.indirect_vreg.gather [hbm4b:s8+s12], $0x80, v3, vm0, $0xb8;
	[tilespmem:$0x9800] =	vst v63  }
0x4c: {  	v3 =	vld.msk [tilespmem:s1+$0x0], $0xff;
	_ =	sdelay $0x4  }
0x4d: {  	v4 =	vshrl.u32 v3, $0x3  }
0x4e: {  	v4 =	vmul.u32 $0x30, v4  }
0x4f: {  	v3 =	vand.u32 $0x7, v3  }
0x50: {  	v3 =	vor.u32 v3, v4  }
0x51: {  	v3 =	vperm.xlane v3, v0;
	_ =	sdelay $0x1  }
0x52: {  	v3 =	vadd.s32 v1, v3;
	_ =	sdelay $0x4  }
0x53: {  	[tilespmem:s26], [sflag:$0x1] =	stream.indirect_vreg.gather [hbm4b:s5+s12], $0x80, v3, vm0, $0xb8;
	[tilespmem:$0x9800] =	vst v63  }
0x54: {  	s19 =	smul.u32 $0xAAAB, s12  }
0x55: {  	[tilespmem:s28], [sflag:$0x1] =	stream.indirect_vreg.gather [hbm4b:s7+s12], $0x80, v3, vm0, $0xb8;
	[tilespmem:$0x9800] =	vst v63  }
0x56: {  	s15 =	sshrl.u32 s19, $0x15  }
0x57: {  	[tilespmem:s29], [sflag:$0x1] =	stream.indirect_vreg.gather [hbm4b:s8+s12], $0x80, v3, vm0, $0xb8;
	[tilespmem:$0x9800] =	vst v63  }
0x58: {  	s13 =	simm.s32 $0x1;
	s12 =	smul.u32 $0x30, s15  }
0x59: {  	s14 =	smul.u32 $0xAAAB, s13;
	s16 =	sshrl.u32 s19, $0x18  }
0x5a: {  	s13 =	smul.u32 $0x1800, s16;
	s12 =	ssub.s32 $0x0, s12  }
0x5b: {  	s16 =	sshrl.u32 s14, $0x15;
	s1 =	sshrl.u32 s19, $0xE;
	s15 =	sshll.u32 s12, $0x7  }
0x5c: {  	s17 =	smul.u32 $0x30, s16;
	s1 =	sand.u32 $0x380, s1;
	s15 =	sand.u32 $0x1C00, s15  }
0x5d: {  	_ =	swait.ge [sflag:s30], $0x4800;
	s12 =	sshll.u32 s12, $0x4;
	s13 =	sadd.s32 s15, s13  }
0x5e: {  	[sflag:s30] =	ssyncset.done $0x0;
	s12 =	sand.u32 $0x70, s12;
	s13 =	sor.u32 s1, s13  }
0x5f: {  	s18 =	sshrl.u32 s14, $0x18;
	[sflag:s30] =	ssyncadd.s32 $0xFFFFB800;
	s12 =	sor.u32 s12, s13  }
0x60: {  	s31 =	simm.s32 $0x2;
	s16 =	smul.u32 $0x1800, s18;
	s15 =	ssub.s32 $0x1, s17;
	v3 =	vld [tilespmem:s12+$0x5000]  }
0x61: {  	s14 =	sshrl.u32 s14, $0xE;
	s1 =	smul.u32 $0xAAAB, s31;
	s17 =	sshll.u32 s15, $0x7  }
0x62: {  	s19 =	sand.u32 $0x380, s14;
	s15 =	sshll.u32 s15, $0x4;
	s17 =	sand.u32 $0x1C00, s17  }
0x63: {  	s13 =	simm.s32 $0x3;
	s18 =	sshrl.u32 s1, $0x15;
	s16 =	sadd.s32 s17, s16  }
0x64: {  	s15 =	sand.u32 $0x70, s15;
	s14 =	smul.u32 $0x30, s18;
	s16 =	sor.u32 s19, s16  }
.LBB2_4:
0x65: {  	s17 =	sshrl.u32 s1, $0x18;
	[tilespmem:s12+$0x800] =	vst.add.f32.msk $0xffff, v3;
	s12 =	sor.u32 s15, s16;
	s15 =	smov.u32 s1  }
0x66: {  	s1 =	smul.u32 $0xAAAB, s13;
	s16 =	smov.u32 s31;
	s31 =	smov.u32 s13  }
0x67: {  	p0 =	sne.s32 s13, $0x47F;
	s14 =	ssub.s32 s16, s14;
	s16 =	smul.u32 $0x1800, s17  }
.Ltmp0:
0x68: {  	v3 =	vld [tilespmem:s12+$0x5000];
	(pc) =	sbr.rel @p0 .LBB2_4-.Ltmp0, $4  }
0x69: {  	s13 =	sadd.s32 $0x1, s13;
	s17 =	sshll.u32 s14, $0x7  }
0x6a: {  	s15 =	sshrl.u32 s15, $0xE;
	s18 =	sshrl.u32 s1, $0x15;
	s17 =	sand.u32 $0x1C00, s17  }
0x6b: {  	s19 =	sshll.u32 s14, $0x4;
	s16 =	sadd.s32 s17, s16;
	s17 =	sand.u32 $0x380, s15  }
0x6c: {  	s14 =	smul.u32 $0x30, s18;
	s15 =	sand.u32 $0x70, s19;
	s16 =	sor.u32 s17, s16  }
0x6d: {  	s13 =	sor.u32 s15, s16;
	[tilespmem:s12+$0x800] =	vst.add.f32.msk $0xffff, v3  }
0x6e: {  	s18 =	sshrl.u32 s1, $0x18;
	s14 =	ssub.s32 s31, s14;
	v3 =	vld [tilespmem:s13+$0x5000]  }
0x6f: {  	s12 =	smul.u32 $0x1800, s18;
	s19 =	sshll.u32 s14, $0x7  }
0x70: {  	s31 =	sshrl.u32 s1, $0xE;
	s15 =	sand.u32 $0x1C00, s19  }
0x71: {  	s14 =	sshll.u32 s14, $0x4;
	s1 =	sand.u32 $0x380, s31;
	s12 =	sadd.s32 s15, s12  }
0x72: {  	s14 =	sand.u32 $0x70, s14;
	s1 =	sor.u32 s1, s12  }
0x73: {  	s9 =	sadd.s32 $0x1, s9;
	s1 =	sor.u32 s14, s1;
	[tilespmem:s13+$0x800] =	vst.add.f32.msk $0xffff, v3  }
0x74: {  	p0 =	sne.s32 s9, $0xB;
	v3 =	vld [tilespmem:s1+$0x5000]  }
.Ltmp1:
0x75: {  	_ = 	snop;
	(pc) =	sbr.rel @p0 .LBB2_3-.Ltmp1, $2  }
0x76: {  	_ =	sdelay $0x2  }
0x77: {  	[tilespmem:s1+$0x800] =	vst.add.f32.msk $0xffff, v3  }
0x78: {  	s1 =	smul.u32 $0x900, s2;
	s0 =	sadd.s32 $0x1, s0  }
0x79: {  	s31 =	rddreg [dreg:$0x1];
	p0 =	sne.s32 s0, $0x2B  }
.Ltmp2:
0x7a: {  	s1 =	sadd.s32 s31, s1;
	(pc) =	sbr.rel @p0 .LBB2_2-.Ltmp2, $4  }
0x7b: {  	[hbm4b:s1+s3] =	stream.linear.scatter [tilespmem:s11], [sflag:$0x2], $0x4800, $0x38;
	[tilespmem:$0x9800] =	vst v63  }
0x7c: {  	_ =	swait.ge [sflag:s10], $0x4800  }
0x7d: {  	[sflag:s10] =	ssyncset.done $0x0  }
0x7e: {  	[sflag:s10] =	ssyncadd.s32 $0xFFFFB800  }
0x7f: {  	s1 =	rddreg [dreg:$0x4]  }
0x80: {  	s0 =	rddreg [dreg:$0x3];
	s1 =	sadd.s32 $0x1, s1  }
0x81: {  	p0 =	sne.s32 s1, s0  }
.Ltmp3:
0x82: {  	_ = 	snop;
	(pc) =	sbr.rel @p0 .LBB2_1-.Ltmp3, $1  }
0x83: {  	_ =	sdelay $0x3  }
0x84: {  	_ =	sfence.sel $0x180000  }
0x85: {  	[bflag:$0x0] =	sbarrier.arrive $0xFFFF  }
0x86: {  	_ =	strace $0x90000047  }
0x87: {  	s0 =	stileid.u32;
	[bflag:$0x2] =	sbarrier.arrive $0xFFFF  }
0x88: {  	p0 =	sne.s32 s0, $0x0;
	s0 =	rddreg [dreg:$0x2]  }
0x89: {  	s0 =	sadd.s32 @!p0 $0x100000, s0  }
0x8a: {  	[sflag:s0] =	ssyncadd.tile.s32 @!p0 $0x1;
	_ =	shalt  }
.Lfunc_end2:
_tile_overlayer_lowered:
.L_overlay_start_2:
0x8b: {  	(tag) =	ssettag $0x2  }
0x8c: {  	s0 =	rddreg [dreg:$0x0];
	s2 =	stileid.u32  }
0x8d: {  	s1 =	rddreg [dreg:$0x1];
	p0 =	sne.s32 s2, $0x0  }
0x8e: {  	s3 =	rddreg [dreg:$0x2];
	[bflag:$0x3] =	sbarrier.arrive $0xFFFF;
	s2 =	simm.s32 @!p0 $0x1C02  }
0x8f: {  	[timem:s3], [sflag:s2] =	dma.local @!p0 [hbm:s0], s1  }
0x90: {  	s0 =	simm.s32 @!p0 $0x2  }
0x91: {  	_ =	swait.ge @!p0 [sflag:s0], s1  }
0x92: {  	s1 =	ssub.s32 @!p0 $0x0, s1;
	[sflag:s0] =	ssyncset.done @!p0 $0x0  }
0x93: {  	[sflag:s0] =	ssyncadd.s32 @!p0 s1  }
0x94: {  	[bflag:$0x3] =	sbarrier.arrive $0xFFFF  }
0x95: {  	_ =	shalt  }

// kernel: sparse-core-data-format-call.cloned.1.call-start
scs
called_computation_lowered:
.L_overlay_start_0:
0x0: {  	s2 =	sld [smem:$0x3FD9]  }
0x1: {  	s3 =	sld [smem:$0x3FFE];
	_ =	sdelay $0x1  }
0x2: {  	s1 =	srdreg.scid  }
0x3: {  	s0 =	sand.u32 $0x1, s1  }
0x4: {  	s18 =	sshll.u32 s0, $0xA;
	s2 =	sadd.s32 s3, s2  }
0x5: {  	s2 =	sadd.s32 s2, s18  }
0x6: {  	[smem:$0x3FC1] =	sst s2  }
0x7: {  	_ = 	snop  }
0x8: {  	s2 =	sld [smem:$0x3FD0];
	(tm) =	ssettm $0x1  }
0x9: {  	s19 =	sld [smem:$0x3FFB];
	_ =	sdelay $0x3  }
0xa: {  	_ =	strace s19  }
0xb: {  	s3 =	sld [smem:$0x3FFC];
	_ =	sdelay $0x3  }
0xc: {  	_ =	strace s3  }
0xd: {  	s3 =	sld [smem:$0x3FFD];
	_ =	sdelay $0x3  }
0xe: {  	_ =	strace s3  }
0xf: {  	_ =	strace $0x8FFFFFFF  }
0x10: {  	s20 =	sld [smem:$0x3FDB];
	_ =	sdelay $0x1  }
0x11: {  	s4 =	simm.s32 $_scs_section_size  }
0x12: {  	s5 =	simm.s32 $_size__tile_overlayer_lowered;
	s6 =	simm.s32 $_tile_overlayer_lowered  }
0x13: {  	s23 =	simm.s32 $0x1BFF;
	s22 =	sshll.u32 s6, $0x1;
	s3 =	sadd.s32 s4, s20  }
0x14: {  	s7 =	simm.s32 $0x0;
	s21 =	sshll.u32 s5, $0x1;
	s5 =	sadd.s32 s22, s3  }
0x15: {  	[timem:s7], [sflag:s23] =	dma.local [hbm:s5], s21  }
0x16: {  	_ =	swait.ge [sflag:s23], s21  }
0x17: {  	s4 =	ssub.s32 $0x0, s21;
	[sflag:s23] =	ssyncset.done $0x0  }
0x18: {  	[sflag:s23] =	ssyncadd.s32 s4;
	_ =	sdelay $0x1  }
0x19: {  	s24 =	simm.s32 $0x1B8B  }
0x1a: {  	_ =	swait.ge [sflag:s24], $0x1  }
0x1b: {  	[sflag:s24] =	ssyncset.done $0x0  }
0x1c: {  	s26 =	simm.s32 $0x1B8E;
	s25 =	sld [smem:$0x3FFE];
	[sflag:s24] =	ssyncadd.s32 $0xFFFFFFFF  }
0x1d: {  	s27 =	simm.s32 $execute0_lowered;
	[smem:$0x3FD2] =	sst s26  }
0x1e: {  	s5 =	sshll.u32 s27, $0x1;
	_ =	strace $0x80000049;
	[dreg:$0x1] =	wrdreg $0xFFFFFFFF  }
0x1f: {  	s28 =	simm.s32 $_size_execute0_lowered;
	s3 =	sadd.s32 s3, s5;
	[dreg:$0x0] =	wrdreg $0x0  }
0x20: {  	s5 =	sshll.u32 s28, $0x1;
	[dreg:$0x2] =	wrdreg s3  }
0x21: {  	[dreg:$0x3] =	wrdreg s5  }
0x22: {  	[dreg:$0x4] =	wrdreg $0xC0  }
0x23: {  	_ =	task [dreg:s7], $0x5FFFF  }
0x24: {  	[dreg:$0x1] =	wrdreg $0xFFFFFFFF  }
0x25: {  	[dreg:$0x0] =	wrdreg $0x60  }
0x26: {  	[dreg:$0x2] =	wrdreg s25  }
0x27: {  	[dreg:$0x3] =	wrdreg s2  }
0x28: {  	[dreg:$0x4] =	wrdreg $0x9  }
0x29: {  	_ =	task.clear_ibuf [dreg:s7], $0x5FFFF;
	_ =	strace $0x90000049  }
0x2a: {  	s29 =	simm.s32 $0x9;
	_ =	strace $0x8000004B  }
0x2b: {  	_ =	swait.ge [sflag:s29], $0x1  }
0x2c: {  	[sflag:s29] =	ssyncadd.s32 $0xFFFFFFFF  }
0x2d: {  	_ =	strace $0x9000004B  }
0x2e: {  	_ =	sfence  }
0x2f: {  	s30 =	sld [smem:$0x0];
	_ =	sdelay $0x2  }
0x30: {  	s31 =	sshll.u32 s1, $0xD;
	s1 =	sshrl.u32 s1, $0x2  }
0x31: {  	s3 =	sand.u32 $0x4000, s31;
	s1 =	sadd.s32 s1, s30  }
0x32: {  	s0 =	sor.u32 s3, s0;
	s1 =	sshll.u32 s1, $0x11  }
0x33: {  	s0 =	sor.u32 s1, s0  }
0x34: {  	s0 =	sadd.s32 $0x8F2B, s0  }
0x35: {  	[sflag:s0] =	ssyncadd.remote.s32 $0x1  }
0x36: {  	_ =	sfence.sel $0xFFFF  }
0x37: {  	[dreg:$0x0] =	wrdreg $0xFFFFFFFF;
	(pc) =	sbr.abs _section_cstart, $3  }
0x38: {  	[dreg:$0x1] =	wrdreg $0xFFFFFFFF  }
0x39: {  	_ =	task.clear_ibuf [dreg:s7], $0x2FFFF;
	_ =	strace $0x9FFFFFFF  }
0x3a: {  	(tm) =	ssettm $0x7FFFFFFF  }
0x3b: {  	_ =	shalt  }
tec
execute0_lowered:
.L_overlay_start_1:
0x0: {  	(tag) =	ssettag $0x1  }
0x1: {  	s0 =	stileid.u32;
	s1 =	srdreg.scid  }
0x2: {  	s1 =	sshll.u32 s1, $0x4;
	s2 =	sshll.u32 s0, $0x7  }
0x3: {  	s7 =	rddreg [dreg:$0x0];
	s3 =	sand.u32 $0x10, s1;
	s1 =	sand.u32 $0x80, s2  }
0x4: {  	s8 =	simm.s32 $0x2;
	s30 =	sor.u32 s0, s3;
	s4 =	ssub.s32 $0x100, s1  }
0x5: {  	s16 =	simm.s32 $0x0;
	s3 =	sshrl.u32 s30, $0x1;
	s31 =	sshrl.u32 s4, $0x7  }
0x6: {  	s4 =	sshrl.u32 s4, $0x8;
	s2 =	sand.u32 $0x1, s31;
	s5 =	ssub.s32 $0x90, s3  }
0x7: {  	s9 =	simm.s32 $0x1800;
	s2 =	sadd.s32 s4, s2;
	s5 =	sshrl.u32 s5, $0x4  }
0x8: {  	s10 =	simm.s32 $0x0;
	s15 =	simm.s32 $0x0;
	s6 =	smul.u32 s5, s2  }
.Ltmp0:
0x9: {  	s17 =	simm.s32 $0x0;
	s4 =	rddreg [dreg:$0x1];
	(pc) =	sbr.rel .LBB1_1-.Ltmp0, $4  }
0xa: {  	s11 =	simm.s32 $0x0;
	s14 =	simm.s32 $0x0;
	s2 =	rddreg [dreg:$0x2]  }
0xb: {  	_ =	strace $0x8000004A;
	s5 =	simm.s32 $0x1;
	s6 =	smul.u32 $0x6, s6  }
0xc: {  	s7 =	sadd.s32 $0x2000, s7;
	s13 =	smov.u32 s1;
	[sflag:s5] =	ssyncpa.u1 $0x0  }
0xd: {  	s12 =	smov.u32 s3;
	[sflag:s8] =	ssyncpa.u1 $0x0;
	s8 =	sor.u32 $0x1, s6  }
.LBB1_4:
0xe: {  	_ =	sdelay $0x2  }
0xf: {  	s21 =	sshrl.u32 s17, $0x3  }
0x10: {  	[tilespmem:v0+s20+$0xFFFFFFD0 ss:$0x1] =	vst.idx.msk $0xffff, v7;
	s22 =	sshll.u32 s16, $0x3;
	s21 =	smul.u32 $0x1800, s21  }
0x11: {  	v56 =	vld.idx.msk [tilespmem:v1+s19+$0x0 ss:$0x1], $0xffff;
	[tilespmem:v0+s20+$0xFFFFFFE0 ss:$0x1] =	vst.idx.msk $0xffff, v5;
	s27 =	sshll.u32 s17, $0x7;
	s22 =	sand.u32 $0xFFFFFC00, s22  }
0x12: {  	v57 =	vld.idx.msk [tilespmem:v1+s19+$0xFFFFFF90 ss:$0x1], $0xffff;
	[tilespmem:v0+s20+$0xFFFFFFF0 ss:$0x1] =	vst.idx.msk $0xffff, v4;
	s17 =	sand.u32 $0x380, s27;
	s21 =	sadd.s32 s21, s22  }
0x13: {  	v58 =	vld.idx.msk [tilespmem:v1+s19+$0xFFFFFFA0 ss:$0x1], $0xffff;
	[tilespmem:v0+s20+$0x0 ss:$0x1] =	vst.idx.msk $0xffff, v2;
	s28 =	sand.u32 $0x7F, s16;
	s17 =	sor.u32 s17, s21  }
0x14: {  	v59 =	vld.idx.msk [tilespmem:v1+s19+$0xFFFFFFB0 ss:$0x1], $0xffff;
	[tilespmem:v0+s20+$0x10 ss:$0x1] =	vst.idx.msk $0xffff, v3;
	s16 =	sor.u32 s28, s17  }
0x15: {  	v60 =	vld.idx.msk [tilespmem:v1+s19+$0xFFFFFFC0 ss:$0x1], $0xffff;
	[tilespmem:v0+s20+$0x20 ss:$0x1] =	vst.idx.msk $0xffff, v6;
	s29 =	smulhi.u32 $0xAAAAAAAB, s16  }
0x16: {  	v61 =	vld.idx.msk [tilespmem:v1+s19+$0xFFFFFFD0 ss:$0x1], $0xffff;
	[tilespmem:v0+s19+$0x30 ss:$0x1] =	vst.idx.msk $0xffff, v56;
	s17 =	smulhi.u32 $0xAAAAAAAB, s17  }
0x17: {  	v62 =	vld.idx.msk [tilespmem:v1+s19+$0xFFFFFFE0 ss:$0x1], $0xffff;
	[tilespmem:v0+s19+$0xFFFFFFC0 ss:$0x1] =	vst.idx.msk $0xffff, v57;
	s20 =	sshrl.u32 s29, $0x9  }
0x18: {  	v63 =	vld.idx.msk [tilespmem:v1+s19+$0xFFFFFFF0 ss:$0x1], $0xffff;
	[tilespmem:v0+s19+$0xFFFFFFD0 ss:$0x1] =	vst.idx.msk $0xffff, v58;
	s17 =	sshrl.u32 s17, $0x9;
	s20 =	smul.u32 $0x300, s20  }
0x19: {  	s15 =	smul.u32 $0x6000, s15;
	[tilespmem:v0+s19+$0xFFFFFFE0 ss:$0x1] =	vst.idx.msk $0xffff, v59;
	s17 =	sand.u32 $0xFF, s17  }
0x1a: {  	[tilespmem:v0+s19+$0xFFFFFFF0 ss:$0x1] =	vst.idx.msk $0xffff, v60;
	s17 =	smul.u32 $0x60, s17;
	s16 =	ssub.s32 s16, s20  }
0x1b: {  	s15 =	sadd.s32 s4, s15;
	[tilespmem:v0+s19+$0x0 ss:$0x1] =	vst.idx.msk $0xffff, v61;
	s20 =	sand.u32 $0x7, s16  }
0x1c: {  	[tilespmem:v0+s19+$0x10 ss:$0x1] =	vst.idx.msk $0xffff, v62;
	s15 =	sadd.s32 s17, s15;
	s16 =	sshrl.u32 s16, $0x3;
	s30 =	sshll.u32 s20, $0x12  }
0x1d: {  	[tilespmem:v0+s19+$0x20 ss:$0x1] =	vst.idx.msk $0xffff, v63;
	s15 =	sadd.s32 s16, s15;
	s31 =	sor.u32 $0x400, s30  }
0x1e: {  	[hbm4b:s15+s31] =	stream.strided.scatter [tilespmem:s18], [sflag:$0x2], $0x4000, s9, s31, $0x38;
	[tilespmem:$0x10000] =	vst v63  }
.LBB1_5:
0x1f: {  	s18 =	sadd.s32 $0x80, s11  }
0x20: {  	s15 =	sadd.s32 $0x10, s12;
	s19 =	smov.u32 s12;
	p1 =	sgt.s32 s18, $0x2FF  }
0x21: {  	s19 =	smov.u32 @p1 s15  }
0x22: {  	s21 =	smov.u32 s13;
	s15 =	sadd.s32 $0x100, s13;
	p2 =	sgt.s32 s19, $0x80  }
0x23: {  	s21 =	smov.u32 @p2 s15  }
0x24: {  	s18 =	simm.s32 @p1 $0x0;
	p1 =	sgt.s32 s21, $0xFF  }
0x25: {  	p0 =	slt.u32 s14, $0x2;
	s21 =	smov.u32 @p1 s1;
	p1 =	sne.s32 s14, s8  }
.Ltmp1:
0x26: {  	s20 =	simm.s32 @!p0 $0x2;
	(pc) =	sbr.rel @!p1 .LBB1_6-.Ltmp1, $4  }
0x27: {  	s16 =	smov.u32 s11;
	s17 =	smov.u32 s13;
	_ =	swait.ge @!p0 [sflag:s20], $0x4000  }
0x28: {  	s10 =	sadd.s32 $0x4000, s10;
	[sflag:s20] =	ssyncset.done @!p0 $0x0;
	s11 =	smov.u32 s18  }
0x29: {  	s19 =	smov.u32 @p2 s3;
	s15 =	smov.u32 s12;
	[sflag:s20] =	ssyncadd.s32 @!p0 $0xFFFFC000  }
0x2a: {  	s12 =	smov.u32 s19;
	s14 =	sadd.s32 $0x1, s14;
	s13 =	smov.u32 s21  }
.LBB1_1:
0x2b: {  	p0 =	sge.u32 s14, s6  }
0x2c: {  	s18 =	sshrl.u32 @!p0 s12, $0x3  }
0x2d: {  	s19 =	sshll.u32 @!p0 s11, $0x3;
	s18 =	smul.u32 @!p0 $0x1800, s18  }
0x2e: {  	s20 =	sshll.u32 @!p0 s12, $0x7;
	s19 =	sand.u32 @!p0 $0xFFFFFC00, s19  }
0x2f: {  	s18 =	sadd.s32 @!p0 s18, s19;
	s19 =	sand.u32 @!p0 $0x380, s20  }
0x30: {  	s18 =	sor.u32 @!p0 s19, s18  }
0x31: {  	s19 =	sand.u32 @!p0 $0x7F, s11;
	s20 =	smulhi.u32 @!p0 $0xAAAAAAAB, s18  }
0x32: {  	s18 =	sor.u32 @!p0 s19, s18  }
0x33: {  	s19 =	smulhi.u32 @!p0 $0xAAAAAAAB, s18;
	s20 =	sshrl.u32 @!p0 s20, $0x9  }
0x34: {  	s21 =	smulhi.u32 @!p0 $0x1E1E1E2, s20;
	_ =	sdelay $0x1  }
0x35: {  	s19 =	sshrl.u32 @!p0 s19, $0x9;
	s21 =	smul.u32 @!p0 $0x88, s21  }
0x36: {  	s31 =	sadd.s32 $0xFFFFFFFF, s14;
	s19 =	smul.u32 @!p0 $0x300, s19  }
0x37: {  	s22 =	sxor.u32 @!p0 $0xFFFFFFFF, s14;
	s20 =	ssub.s32 @!p0 s20, s21;
	s21 =	smul.u32 @!p0 $0x3300, s13  }
0x38: {  	s22 =	sshll.u32 @!p0 s22, $0xE;
	s18 =	ssub.s32 @!p0 s18, s19;
	s19 =	smul.u32 @!p0 $0x60, s20  }
0x39: {  	s20 =	sand.u32 @!p0 $0x4000, s22;
	s22 =	sand.u32 @!p0 $0x7, s18;
	s21 =	sadd.s32 @!p0 s7, s21  }
0x3a: {  	s18 =	sshrl.u32 @!p0 s18, $0x3;
	s19 =	sadd.s32 @!p0 s19, s21;
	s21 =	sshll.u32 @!p0 s22, $0x12  }
0x3b: {  	s18 =	sadd.s32 @!p0 s18, s19;
	s19 =	sor.u32 @!p0 $0x80, s21;
	s21 =	simm.s32 @!p0 $0x19800  }
0x3c: {  	[tilespmem:s20], [sflag:$0x1] =	stream.strided.gather @!p0 [hbm4b:s18+s19], $0x4000, s21, s19, $0x38;
	[tilespmem:$0x10000] =	vst v63  }
0x3d: {  	p0 =	sge.u32 s31, s6  }
.Ltmp2:
0x3e: {  	_ = 	snop;
	(pc) =	sbr.rel @p0 .LBB1_5-.Ltmp2, $1  }
0x3f: {  	_ =	sdelay $0x3  }
0x40: {  	s18 =	sand.u32 $0x4000, s10  }
0x41: {  	s19 =	sor.u32 $0x70, s18  }
0x42: {  	v1 =	vmov s19;
	_ =	sdelay $0x1  }
0x43: {  	_ =	swait.ge [sflag:s5], $0x4000  }
0x44: {  	[sflag:s5] =	ssyncset.done $0x0  }
0x45: {  	s20 =	simm.s32 $0x0;
	[sflag:s5] =	ssyncadd.s32 $0xFFFFC000  }
0x46: {  	s18 =	sor.u32 $0x8040, s18;
	v6 =	vld.idx.msk [tilespmem:v1+s20+$0x0 ss:$0x1], $0xffff  }
0x47: {  	v0 =	vmov s18;
	v8 =	vld.idx.msk [tilespmem:v1+s20+$0xFFFFFF90 ss:$0x1], $0xffff  }
0x48: {  	v7 =	vld.idx.msk [tilespmem:v1+s20+$0xFFFFFFA0 ss:$0x1], $0xffff  }
0x49: {  	v5 =	vld.idx.msk [tilespmem:v1+s20+$0xFFFFFFB0 ss:$0x1], $0xffff  }
0x4a: {  	v4 =	vld.idx.msk [tilespmem:v1+s20+$0xFFFFFFC0 ss:$0x1], $0xffff  }
0x4b: {  	s31 =	sshll.u32 s14, $0xE;
	v2 =	vld.idx.msk [tilespmem:v1+s20+$0xFFFFFFD0 ss:$0x1], $0xffff  }
0x4c: {  	s18 =	sand.u32 $0x4000, s31;
	v3 =	vld.idx.msk [tilespmem:v1+s20+$0xFFFFFFE0 ss:$0x1], $0xffff;
	[tilespmem:v0+s20+$0x30 ss:$0x1] =	vst.idx.msk $0xffff, v6  }
0x4d: {  	s21 =	simm.s32 $0x400;
	s19 =	simm.s32 $0x80;
	s18 =	sor.u32 $0x8000, s18;
	[tilespmem:v0+s20+$0xFFFFFFC0 ss:$0x1] =	vst.idx.msk $0xffff, v8;
	v6 =	vld.idx.msk [tilespmem:v1+s20+$0xFFFFFFF0 ss:$0x1], $0xffff  }
.LBB1_3:
0x4e: {  	p0 =	sne.s32 s21, $0xFE00;
	v8 =	vld.idx.msk [tilespmem:v1+s19+$0x0 ss:$0x1], $0xffff;
	[tilespmem:v0+s20+$0xFFFFFFD0 ss:$0x1] =	vst.idx.msk $0xffff, v7  }
0x4f: {  	v9 =	vld.idx.msk [tilespmem:v1+s19+$0xFFFFFF90 ss:$0x1], $0xffff;
	[tilespmem:v0+s20+$0xFFFFFFE0 ss:$0x1] =	vst.idx.msk $0xffff, v5  }
0x50: {  	v7 =	vld.idx.msk [tilespmem:v1+s19+$0xFFFFFFA0 ss:$0x1], $0xffff;
	[tilespmem:v0+s20+$0xFFFFFFF0 ss:$0x1] =	vst.idx.msk $0xffff, v4  }
.Ltmp3:
0x51: {  	v5 =	vld.idx.msk [tilespmem:v1+s19+$0xFFFFFFB0 ss:$0x1], $0xffff;
	[tilespmem:v0+s20+$0x0 ss:$0x1] =	vst.idx.msk $0xffff, v2;
	(pc) =	sbr.rel @p0 .LBB1_3-.Ltmp3, $4  }
0x52: {  	v4 =	vld.idx.msk [tilespmem:v1+s19+$0xFFFFFFC0 ss:$0x1], $0xffff;
	[tilespmem:v0+s20+$0x10 ss:$0x1] =	vst.idx.msk $0xffff, v3  }
0x53: {  	v2 =	vld.idx.msk [tilespmem:v1+s19+$0xFFFFFFD0 ss:$0x1], $0xffff;
	[tilespmem:v0+s20+$0x20 ss:$0x1] =	vst.idx.msk $0xffff, v6;
	s20 =	smov.u32 s19  }
0x54: {  	v3 =	vld.idx.msk [tilespmem:v1+s20+$0xFFFFFFE0 ss:$0x1], $0xffff;
	[tilespmem:v0+s20+$0x30 ss:$0x1] =	vst.idx.msk $0xffff, v8  }
0x55: {  	s19 =	sshra.s32 s21, $0x2;
	s21 =	sadd.s32 $0x200, s21;
	[tilespmem:v0+s20+$0xFFFFFFC0 ss:$0x1] =	vst.idx.msk $0xffff, v9;
	v6 =	vld.idx.msk [tilespmem:v1+s20+$0xFFFFFFF0 ss:$0x1], $0xffff  }
.Ltmp4:
0x56: {  	_ = 	snop;
	(pc) =	sbr.rel .LBB1_4-.Ltmp4, $1  }
0x57: {  	_ =	sdelay $0x3  }
.LBB1_6:
0x58: {  	_ =	sfence.sel $0x180000  }
0x59: {  	s1 =	simm.s32 $0x1;
	[bflag:$0x0] =	sbarrier.arrive $0xFFFF  }
0x5a: {  	s31 =	simm.s32 $0x2;
	[sflag:s1] =	ssyncpa.u1 $0x1  }
0x5b: {  	[sflag:s31] =	ssyncpa.u1 $0x1  }
0x5c: {  	p0 =	sne.s32 s0, $0x0;
	_ =	strace $0x9000004A  }
0x5d: {  	s0 =	sadd.s32 @!p0 $0x100000, s2;
	[bflag:$0x2] =	sbarrier.arrive $0xFFFF  }
0x5e: {  	[sflag:s0] =	ssyncadd.tile.s32 @!p0 $0x1;
	_ =	shalt  }
.Lfunc_end1:
_tile_overlayer_lowered:
.L_overlay_start_2:
0x5f: {  	(tag) =	ssettag $0x2  }
0x60: {  	s0 =	rddreg [dreg:$0x0];
	s2 =	stileid.u32  }
0x61: {  	s1 =	rddreg [dreg:$0x1];
	p0 =	sne.s32 s2, $0x0  }
0x62: {  	s3 =	rddreg [dreg:$0x2];
	[bflag:$0x3] =	sbarrier.arrive $0xFFFF;
	s2 =	simm.s32 @!p0 $0x1C01  }
0x63: {  	[timem:s3], [sflag:s2] =	dma.local @!p0 [hbm:s0], s1  }
0x64: {  	s0 =	simm.s32 @!p0 $0x1  }
0x65: {  	_ =	swait.ge @!p0 [sflag:s0], s1  }
0x66: {  	s1 =	ssub.s32 @!p0 $0x0, s1;
	[sflag:s0] =	ssyncset.done @!p0 $0x0  }
0x67: {  	[sflag:s0] =	ssyncadd.s32 @!p0 s1  }
0x68: {  	[bflag:$0x3] =	sbarrier.arrive $0xFFFF  }
0x69: {  	_ =	shalt  }

</sc_bundles>
